<compile_context>
chip_gen: v7x
topology: tpu7x:2x2x1
jax: 0.10.2.dev20260603
libtpu: 0.0.44.dev20260713+nightly
codegen_flags: <defaults>
</compile_context>

<pallas_src>
import functools

import jax
import jax.numpy as jnp
from jax import lax
from jax.experimental import pallas as pl
from jax.experimental.pallas import tpu as pltpu
from jax.experimental.pallas import tpu_sc as plsc

H = 128
N_AUTHOR = 1024
N_PAPER = 4096
LANES = 16
NC, NS = 2, 16
NW = NC * NS
P_PER_W = N_PAPER // NW
A_PER_W = N_AUTHOR // NW


def _sc_gather(paper_emb, author_emb, author_social_emb, venue_emb,
               ids_paper, ids_author, ids_venue):
    mesh = plsc.VectorSubcoreMesh(core_axis_name="c", subcore_axis_name="s")

    @functools.partial(
        pl.kernel,
        mesh=mesh,
        out_type=(
            jax.ShapeDtypeStruct((NW, H), jnp.float32),
            jax.ShapeDtypeStruct((N_AUTHOR, H), jnp.float32),
            jax.ShapeDtypeStruct((N_AUTHOR, H), jnp.float32),
            jax.ShapeDtypeStruct((1, H), jnp.float32),
        ),
        scratch_types=[
            pltpu.VMEM((P_PER_W,), jnp.int32),
            pltpu.VMEM((P_PER_W, H), jnp.float32),
            pltpu.VMEM((A_PER_W,), jnp.int32),
            pltpu.VMEM((A_PER_W, H), jnp.float32),
            pltpu.VMEM((A_PER_W, H), jnp.float32),
            pltpu.VMEM((1,), jnp.int32),
            pltpu.VMEM((1, H), jnp.float32),
            pltpu.VMEM((1, H), jnp.float32),
            pltpu.SemaphoreType.DMA,
            pltpu.SemaphoreType.DMA,
            pltpu.SemaphoreType.DMA,
            pltpu.SemaphoreType.DMA,
        ],
    )
    def k(paper_hbm, aut_hbm, asoc_hbm, ven_hbm, idsp_hbm, idsa_hbm, idsv_hbm,
          psum_out, atop_out, asoc_out, ven_out,
          idx_p, rows_p, idx_a, rows_at, rows_as, idx_v, row_v, acc,
          sem_p, sem_at, sem_as, sem_v):
        wid = lax.axis_index("s") * NC + lax.axis_index("c")
        base_p = wid * P_PER_W
        base_a = wid * A_PER_W
        nvec = H // LANES

        ci_a = pltpu.async_copy(idsa_hbm.at[pl.ds(base_a, A_PER_W)], idx_a, sem_at)
        ci_p = pltpu.async_copy(idsp_hbm.at[pl.ds(base_p, P_PER_W)], idx_p, sem_p)
        ci_a.wait()
        cp_at = pltpu.async_copy(aut_hbm.at[idx_a], rows_at, sem_at)
        cp_as = pltpu.async_copy(asoc_hbm.at[idx_a], rows_as, sem_as)
        ci_p.wait()
        cp_p = pltpu.async_copy(paper_hbm.at[idx_p], rows_p, sem_p)

        @pl.when(wid == 0)
        def _():
            pltpu.sync_copy(idsv_hbm, idx_v)
            pltpu.async_copy(ven_hbm.at[idx_v], row_v, sem_v).wait()
            pltpu.sync_copy(row_v, ven_out)

        cp_at.wait()
        co_at = pltpu.async_copy(rows_at, atop_out.at[pl.ds(base_a, A_PER_W)],
                                 sem_at)
        cp_as.wait()
        co_as = pltpu.async_copy(rows_as, asoc_out.at[pl.ds(base_a, A_PER_W)],
                                 sem_as)

        def body(r, carry):
            return tuple(carry[j] + rows_p[r, pl.ds(j * LANES, LANES)]
                         for j in range(nvec))

        zeros = tuple(jnp.zeros((LANES,), jnp.float32) for _ in range(nvec))
        cp_p.wait()
        sums = lax.fori_loop(0, P_PER_W, body, zeros, unroll=2)
        for j in range(nvec):
            acc[0, pl.ds(j * LANES, LANES)] = sums[j]
        pltpu.sync_copy(acc, psum_out.at[pl.ds(wid, 1)])
        co_at.wait()
        co_as.wait()

    return k(paper_emb, author_emb, author_social_emb, venue_emb,
             ids_paper, ids_author, ids_venue)


def _tc_body(atop, asoc, pack, w2, psum, ven, topic, out):
    f32 = jnp.float32
    hp = None
    at = atop[...]
    as_ = asoc[...]
    h = lax.dot_general(at, pack[0:H, :], (((1,), (0,)), ((), ())),
                        precision=hp, preferred_element_type=f32)
    h = h + lax.dot_general(as_, pack[H:2 * H, :], (((1,), (0,)), ((), ())),
                            precision=hp, preferred_element_type=f32)
    h = jnp.maximum(h + pack[2 * H:2 * H + 1, :], 0.0)
    logits = lax.dot_general(h, w2[...], (((1,), (0,)), ((), ())),
                             precision=hp, preferred_element_type=f32)
    logits = logits + jnp.sum(pack[2 * H + 1:2 * H + 2, :])
    m = jnp.max(logits)
    e = jnp.exp(logits - m)
    inv = 1.0 / jnp.sum(e)
    pa_t = lax.dot_general(e, at, (((0,), (0,)), ((), ())),
                           precision=hp, preferred_element_type=f32) * inv
    pa_s = lax.dot_general(e, as_, (((0,), (0,)), ((), ())),
                           precision=hp, preferred_element_type=f32) * inv
    paper = jnp.sum(psum[...], axis=0, keepdims=True) * (1.0 / N_PAPER)
    venue = ven[...]
    w = pack[2 * H + 2:2 * H + 3, 0:4]
    we = jnp.exp(w - jnp.max(w))
    ws = we / jnp.sum(we)
    w0 = ws[0:1, 0:1]
    w1s = ws[0:1, 1:2]
    w2s = ws[0:1, 2:3]
    w3s = ws[0:1, 3:4]
    lo = w0 * pa_t + w1s * venue + w2s * paper + w3s * topic[...]
    hi = w0 * pa_s
    out[0:1, 0:H] = lo
    out[0:1, H:2 * H] = hi


def _tc_call(atop, asoc, W1, b1, W2, b2, psum, ven, topic_vec, wvec):
    zpad1 = jnp.zeros((H // 2 - 1,), jnp.float32)
    zpad4 = jnp.zeros((H // 2 - 4,), jnp.float32)
    row_b2 = jnp.concatenate([b2.reshape(1), zpad1]).reshape(1, H // 2)
    row_w = jnp.concatenate([wvec.reshape(4), zpad4]).reshape(1, H // 2)
    pack = jnp.concatenate(
        [W1, b1.reshape(1, H // 2), row_b2, row_w], axis=0)
    return pl.pallas_call(
        _tc_body,
        out_shape=jax.ShapeDtypeStruct((1, 2 * H), jnp.float32),
    )(atop, asoc, pack, W2, psum, ven, topic_vec.reshape(1, H))


def kernel(paper_emb, author_emb, author_social_emb, venue_emb, topic_vec,
           W1, b1, W2, b2, w_author, w_venue, w_paper, w_self,
           ids_author, ids_venue, ids_paper):
    psum, atop, asoc, ven = _sc_gather(
        paper_emb, author_emb, author_social_emb, venue_emb,
        ids_paper, ids_author, ids_venue)
    wvec = jnp.stack([w_author, w_venue, w_paper, w_self]).reshape(1, 4)
    out = _tc_call(atop, asoc, W1, b1, W2, b2, psum, ven, topic_vec, wvec)
    return out.reshape(2 * H)

# --- scband reference (transcript-rebuilt; emitter-appended) ---
"""Pipeline reference for scband-weighted-imputer-48859547959717 (READ-ONLY COPY).

The authoritative reference and input builder live on the scoring server;
editing this copy changes nothing except your own understanding.
"""

import jax, jax.numpy as jnp
import numpy as np


def setup_inputs(seed: int = 0) -> dict:
    key = jax.random.key(seed)
    ks = jax.random.split(key, 12)
    H = 128
    paper_emb = jax.random.normal(ks[0], (100000, H), dtype=jnp.float32)
    author_emb = jax.random.normal(ks[1], (50000, H), dtype=jnp.float32)
    author_social_emb = jax.random.normal(ks[2], (50000, H), dtype=jnp.float32)
    venue_emb = jax.random.normal(ks[3], (10000, H), dtype=jnp.float32)
    topic_vec = jax.random.normal(ks[4], (H,), dtype=jnp.float32)
    # author_attention params: Linear(2H -> H//2), ReLU, Linear(H//2 -> 1), Softmax(dim=0)
    W1 = jax.random.normal(ks[5], (2 * H, H // 2), dtype=jnp.float32) * 0.05
    b1 = jnp.zeros((H // 2,), dtype=jnp.float32)
    W2 = jax.random.normal(ks[6], (H // 2, 1), dtype=jnp.float32) * 0.05
    b2 = jnp.zeros((1,), dtype=jnp.float32)
    # per-metadata-type scalar weights (ParameterDict), all init to 1.0
    w_author = jnp.array(1.0, dtype=jnp.float32)
    w_venue = jnp.array(1.0, dtype=jnp.float32)
    w_paper = jnp.array(1.0, dtype=jnp.float32)
    w_self = jnp.array(1.0, dtype=jnp.float32)
    ids_author = jax.random.randint(ks[7], (1024,), 0, 50000)
    ids_venue = jax.random.randint(ks[8], (1,), 0, 10000)
    ids_paper = jax.random.randint(ks[9], (4096,), 0, 100000)
    return {
        'paper_emb': paper_emb,
        'author_emb': author_emb,
        'author_social_emb': author_social_emb,
        'venue_emb': venue_emb,
        'topic_vec': topic_vec,
        'W1': W1, 'b1': b1, 'W2': W2, 'b2': b2,
        'w_author': w_author, 'w_venue': w_venue, 'w_paper': w_paper, 'w_self': w_self,
        'ids_author': ids_author, 'ids_venue': ids_venue, 'ids_paper': ids_paper,
    }


def reference(paper_emb, author_emb, author_social_emb, venue_emb, topic_vec,
              W1, b1, W2, b2, w_author, w_venue, w_paper, w_self,
              ids_author, ids_venue, ids_paper):
    # --- author part: gather topic + social embeddings, concat, attention-weighted sum ---
    a_topic = jnp.take(author_emb, ids_author, axis=0)            # [n_a, H]
    a_soc = jnp.take(author_social_emb, ids_author, axis=0)       # [n_a, H]
    a = jnp.concatenate([a_topic, a_soc], axis=1)                 # [n_a, 2H]
    h = jax.nn.relu(a @ W1 + b1)                                  # [n_a, H//2]
    attn = jax.nn.softmax(h @ W2 + b2, axis=0)                    # softmax over authors (dim=0)
    part_author = (a * attn).sum(axis=0)                          # [2H]
    # --- venue part: mean of gathered venue embeddings, zero-padded to 2H ---
    v = jnp.take(venue_emb, ids_venue, axis=0).mean(axis=0)       # [H]
    part_venue = jnp.concatenate([v, jnp.zeros_like(v)], axis=0)  # [2H]
    # --- cited-paper part: mean of gathered paper embeddings, zero-padded to 2H ---
    p = jnp.take(paper_emb, ids_paper, axis=0).mean(axis=0)       # [H]
    part_paper = jnp.concatenate([p, jnp.zeros_like(p)], axis=0)  # [2H]
    # --- self/topic part ---
    part_self = jnp.concatenate([topic_vec, jnp.zeros_like(topic_vec)], axis=0)  # [2H]
    # --- softmax over the per-type scalar weights, weighted sum of parts ---
    ws = jax.nn.softmax(jnp.stack([w_author, w_venue, w_paper, w_self]), axis=0)
    out = ws[0] * part_author + ws[1] * part_venue + ws[2] * part_paper + ws[3] * part_self
    return out

if __name__ == "__main__":
    import jax
    _d = setup_inputs()
    print(jax.jit(kernel)(*tuple(_d.values())))

</pallas_src>

<mosaic_0001>
#map = affine_map<(d0, d1) -> (0, 0)>
#map1 = affine_map<(d0, d1) -> (0)>
module attributes {stable_mosaic.version = 14 : i64} {
  func.func @k(%arg0: i32, %arg1: i32, %arg2: memref<100000x128xf32, #tpu.memory_space<hbm>>, %arg3: memref<50000x128xf32, #tpu.memory_space<hbm>>, %arg4: memref<50000x128xf32, #tpu.memory_space<hbm>>, %arg5: memref<10000x128xf32, #tpu.memory_space<hbm>>, %arg6: memref<4096xi32, #tpu.memory_space<hbm>>, %arg7: memref<1024xi32, #tpu.memory_space<hbm>>, %arg8: memref<1xi32, #tpu.memory_space<hbm>>, %arg9: memref<32x128xf32, #tpu.memory_space<hbm>>, %arg10: memref<1024x128xf32, #tpu.memory_space<hbm>>, %arg11: memref<1024x128xf32, #tpu.memory_space<hbm>>, %arg12: memref<1x128xf32, #tpu.memory_space<hbm>>, %arg13: memref<128xi32, #tpu.memory_space<vmem>>, %arg14: memref<128x128xf32, #tpu.memory_space<vmem>>, %arg15: memref<32xi32, #tpu.memory_space<vmem>>, %arg16: memref<32x128xf32, #tpu.memory_space<vmem>>, %arg17: memref<32x128xf32, #tpu.memory_space<vmem>>, %arg18: memref<1xi32, #tpu.memory_space<vmem>>, %arg19: memref<1x128xf32, #tpu.memory_space<vmem>>, %arg20: memref<1x128xf32, #tpu.memory_space<vmem>>, %arg21: memref<!tpu.dma_semaphore, #tpu.memory_space<semaphore_mem>>, %arg22: memref<!tpu.dma_semaphore, #tpu.memory_space<semaphore_mem>>, %arg23: memref<!tpu.dma_semaphore, #tpu.memory_space<semaphore_mem>>, %arg24: memref<!tpu.dma_semaphore, #tpu.memory_space<semaphore_mem>>) attributes {dimension_semantics = [#tpu.dimension_semantics<core_parallel>, #tpu.dimension_semantics<subcore_parallel>], iteration_bounds = array<i64: 2, 16>, scalar_prefetch = 0 : i64, scratch_operands = 12 : i64, tpu.core_type = #tpu.core_type<sc_vector_subcore>, window_params = [{transform_indices = #map}, {transform_indices = #map}, {transform_indices = #map}, {transform_indices = #map}, {transform_indices = #map1}, {transform_indices = #map1}, {transform_indices = #map1}, {transform_indices = #map}, {transform_indices = #map}, {transform_indices = #map}, {transform_indices = #map}]} {
    %mul3A = arith.constant 2 : i32
    %mul3A_0 = arith.muli %arg1, %mul3A : i32
    %add3A = arith.addi %mul3A_0, %arg0 : i32
    %mul3A_1 = arith.constant 128 : i32
    %mul3A_2 = arith.muli %add3A, %mul3A_1 : i32
    %mul3A_3 = arith.constant 32 : i32
    %mul3A_4 = arith.muli %add3A, %mul3A_3 : i32
    %dma_start3A = tpu.memref_slice %arg7[%mul3A_4] : memref<1024xi32, #tpu.memory_space<hbm>> -> memref<32xi32, #tpu.memory_space<hbm>>
    %dma_start3A_5 = tpu.memref_slice %arg7[%mul3A_4] : memref<1024xi32, #tpu.memory_space<hbm>> -> memref<32xi32, #tpu.memory_space<hbm>>
    tpu.enqueue_dma source(%dma_start3A_5 : memref<32xi32, #tpu.memory_space<hbm>>) target(%arg15 : memref<32xi32, #tpu.memory_space<vmem>>) target_semaphore(%arg22 : memref<!tpu.dma_semaphore, #tpu.memory_space<semaphore_mem>>)
    %dma_start3A_6 = tpu.memref_slice %arg6[%mul3A_2] : memref<4096xi32, #tpu.memory_space<hbm>> -> memref<128xi32, #tpu.memory_space<hbm>>
    %dma_start3A_7 = tpu.memref_slice %arg6[%mul3A_2] : memref<4096xi32, #tpu.memory_space<hbm>> -> memref<128xi32, #tpu.memory_space<hbm>>
    tpu.enqueue_dma source(%dma_start3A_7 : memref<128xi32, #tpu.memory_space<hbm>>) target(%arg13 : memref<128xi32, #tpu.memory_space<vmem>>) target_semaphore(%arg21 : memref<!tpu.dma_semaphore, #tpu.memory_space<semaphore_mem>>)
    %dma_wait3A = tpu.memref_slice %arg7[%mul3A_4] : memref<1024xi32, #tpu.memory_space<hbm>> -> memref<32xi32, #tpu.memory_space<hbm>>
    %dma_wait3A_8 = tpu.memref_slice %arg7[%mul3A_4] : memref<1024xi32, #tpu.memory_space<hbm>> -> memref<32xi32, #tpu.memory_space<hbm>>
    tpu.wait_dma2 semaphore(%arg22 : memref<!tpu.dma_semaphore, #tpu.memory_space<semaphore_mem>>) src(%dma_wait3A_8 : memref<32xi32, #tpu.memory_space<hbm>>) dst(%arg15 : memref<32xi32, #tpu.memory_space<vmem>>)
    %dma_start3A_9 = arith.constant 0 : i32
    %dma_start3A_10 = arith.constant 0 : i32
    %dma_start3A_11 = tpu.memref_slice %arg3[%dma_start3A_9, %dma_start3A_10] : memref<50000x128xf32, #tpu.memory_space<hbm>> -> memref<50000x128xf32, #tpu.memory_space<hbm>>
    tpu.enqueue_indirect_dma source(%dma_start3A_11 : memref<50000x128xf32, #tpu.memory_space<hbm>>) target(%arg16 : memref<32x128xf32, #tpu.memory_space<vmem>>) offsets(%arg15 : memref<32xi32, #tpu.memory_space<vmem>>) semaphore(%arg22 : memref<!tpu.dma_semaphore, #tpu.memory_space<semaphore_mem>>)
    %dma_start3A_12 = arith.constant 0 : i32
    %dma_start3A_13 = arith.constant 0 : i32
    %dma_start3A_14 = tpu.memref_slice %arg4[%dma_start3A_12, %dma_start3A_13] : memref<50000x128xf32, #tpu.memory_space<hbm>> -> memref<50000x128xf32, #tpu.memory_space<hbm>>
    tpu.enqueue_indirect_dma source(%dma_start3A_14 : memref<50000x128xf32, #tpu.memory_space<hbm>>) target(%arg17 : memref<32x128xf32, #tpu.memory_space<vmem>>) offsets(%arg15 : memref<32xi32, #tpu.memory_space<vmem>>) semaphore(%arg23 : memref<!tpu.dma_semaphore, #tpu.memory_space<semaphore_mem>>)
    %dma_wait3A_15 = tpu.memref_slice %arg6[%mul3A_2] : memref<4096xi32, #tpu.memory_space<hbm>> -> memref<128xi32, #tpu.memory_space<hbm>>
    %dma_wait3A_16 = tpu.memref_slice %arg6[%mul3A_2] : memref<4096xi32, #tpu.memory_space<hbm>> -> memref<128xi32, #tpu.memory_space<hbm>>
    tpu.wait_dma2 semaphore(%arg21 : memref<!tpu.dma_semaphore, #tpu.memory_space<semaphore_mem>>) src(%dma_wait3A_16 : memref<128xi32, #tpu.memory_space<hbm>>) dst(%arg13 : memref<128xi32, #tpu.memory_space<vmem>>)
    %dma_start3A_17 = arith.constant 0 : i32
    %dma_start3A_18 = arith.constant 0 : i32
    %dma_start3A_19 = tpu.memref_slice %arg2[%dma_start3A_17, %dma_start3A_18] : memref<100000x128xf32, #tpu.memory_space<hbm>> -> memref<100000x128xf32, #tpu.memory_space<hbm>>
    tpu.enqueue_indirect_dma source(%dma_start3A_19 : memref<100000x128xf32, #tpu.memory_space<hbm>>) target(%arg14 : memref<128x128xf32, #tpu.memory_space<vmem>>) offsets(%arg13 : memref<128xi32, #tpu.memory_space<vmem>>) semaphore(%arg21 : memref<!tpu.dma_semaphore, #tpu.memory_space<semaphore_mem>>)
    %eq3A = arith.constant 0 : i32
    %eq3A_20 = arith.cmpi eq, %add3A, %eq3A : i32
    %convert_element_type3A = arith.extui %eq3A_20 : i1 to i32
    %cond3A = arith.constant 0 : i32
    %cond3A_21 = arith.cmpi ne, %convert_element_type3A, %cond3A : i32
    scf.if %cond3A_21 {
      "tpu.region"() ({
        %run_scoped3A = tpu.sem_alloc : memref<!tpu.dma_semaphore, #tpu.memory_space<semaphore_mem>>
        tpu.enqueue_dma source(%arg8 : memref<1xi32, #tpu.memory_space<hbm>>) target(%arg18 : memref<1xi32, #tpu.memory_space<vmem>>) target_semaphore(%run_scoped3A : memref<!tpu.dma_semaphore, #tpu.memory_space<semaphore_mem>>)
        tpu.wait_dma2 semaphore(%run_scoped3A : memref<!tpu.dma_semaphore, #tpu.memory_space<semaphore_mem>>) src(%arg8 : memref<1xi32, #tpu.memory_space<hbm>>) dst(%arg18 : memref<1xi32, #tpu.memory_space<vmem>>)
        tpu.yield
      }) : () -> ()
      %dma_start3A_114 = arith.constant 0 : i32
      %dma_start3A_115 = arith.constant 0 : i32
      %dma_start3A_116 = tpu.memref_slice %arg5[%dma_start3A_114, %dma_start3A_115] : memref<10000x128xf32, #tpu.memory_space<hbm>> -> memref<10000x128xf32, #tpu.memory_space<hbm>>
      tpu.enqueue_indirect_dma source(%dma_start3A_116 : memref<10000x128xf32, #tpu.memory_space<hbm>>) target(%arg19 : memref<1x128xf32, #tpu.memory_space<vmem>>) offsets(%arg18 : memref<1xi32, #tpu.memory_space<vmem>>) semaphore(%arg24 : memref<!tpu.dma_semaphore, #tpu.memory_space<semaphore_mem>>)
      %dma_wait3A_117 = arith.constant 0 : i32
      %dma_wait3A_118 = arith.constant 0 : i32
      %dma_wait3A_119 = tpu.memref_slice %arg5[%dma_wait3A_117, %dma_wait3A_118] : memref<10000x128xf32, #tpu.memory_space<hbm>> -> memref<10000x128xf32, #tpu.memory_space<hbm>>
      tpu.wait_indirect_dma semaphore(%arg24 : memref<!tpu.dma_semaphore, #tpu.memory_space<semaphore_mem>>) src(%dma_wait3A_119 : memref<10000x128xf32, #tpu.memory_space<hbm>>) dst(%arg19 : memref<1x128xf32, #tpu.memory_space<vmem>>)
      "tpu.region"() ({
        %run_scoped3A = tpu.sem_alloc : memref<!tpu.dma_semaphore, #tpu.memory_space<semaphore_mem>>
        tpu.enqueue_dma source(%arg19 : memref<1x128xf32, #tpu.memory_space<vmem>>) target(%arg12 : memref<1x128xf32, #tpu.memory_space<hbm>>) target_semaphore(%run_scoped3A : memref<!tpu.dma_semaphore, #tpu.memory_space<semaphore_mem>>)
        tpu.wait_dma2 semaphore(%run_scoped3A : memref<!tpu.dma_semaphore, #tpu.memory_space<semaphore_mem>>) src(%arg19 : memref<1x128xf32, #tpu.memory_space<vmem>>) dst(%arg12 : memref<1x128xf32, #tpu.memory_space<hbm>>)
        tpu.yield
      }) : () -> ()
    } else {
    }
    %dma_wait3A_22 = arith.constant 0 : i32
    %dma_wait3A_23 = arith.constant 0 : i32
    %dma_wait3A_24 = tpu.memref_slice %arg3[%dma_wait3A_22, %dma_wait3A_23] : memref<50000x128xf32, #tpu.memory_space<hbm>> -> memref<50000x128xf32, #tpu.memory_space<hbm>>
    tpu.wait_indirect_dma semaphore(%arg22 : memref<!tpu.dma_semaphore, #tpu.memory_space<semaphore_mem>>) src(%dma_wait3A_24 : memref<50000x128xf32, #tpu.memory_space<hbm>>) dst(%arg16 : memref<32x128xf32, #tpu.memory_space<vmem>>)
    %dma_start3A_25 = arith.constant 0 : i32
    %dma_start3A_26 = tpu.memref_slice %arg10[%mul3A_4, %dma_start3A_25] : memref<1024x128xf32, #tpu.memory_space<hbm>> -> memref<32x128xf32, #tpu.memory_space<hbm>>
    %dma_start3A_27 = arith.constant 0 : i32
    %dma_start3A_28 = tpu.memref_slice %arg10[%mul3A_4, %dma_start3A_27] : memref<1024x128xf32, #tpu.memory_space<hbm>> -> memref<32x128xf32, #tpu.memory_space<hbm>>
    tpu.enqueue_dma source(%arg16 : memref<32x128xf32, #tpu.memory_space<vmem>>) target(%dma_start3A_28 : memref<32x128xf32, #tpu.memory_space<hbm>>) target_semaphore(%arg22 : memref<!tpu.dma_semaphore, #tpu.memory_space<semaphore_mem>>)
    %dma_wait3A_29 = arith.constant 0 : i32
    %dma_wait3A_30 = arith.constant 0 : i32
    %dma_wait3A_31 = tpu.memref_slice %arg4[%dma_wait3A_29, %dma_wait3A_30] : memref<50000x128xf32, #tpu.memory_space<hbm>> -> memref<50000x128xf32, #tpu.memory_space<hbm>>
    tpu.wait_indirect_dma semaphore(%arg23 : memref<!tpu.dma_semaphore, #tpu.memory_space<semaphore_mem>>) src(%dma_wait3A_31 : memref<50000x128xf32, #tpu.memory_space<hbm>>) dst(%arg17 : memref<32x128xf32, #tpu.memory_space<vmem>>)
    %dma_start3A_32 = arith.constant 0 : i32
    %dma_start3A_33 = tpu.memref_slice %arg11[%mul3A_4, %dma_start3A_32] : memref<1024x128xf32, #tpu.memory_space<hbm>> -> memref<32x128xf32, #tpu.memory_space<hbm>>
    %dma_start3A_34 = arith.constant 0 : i32
    %dma_start3A_35 = tpu.memref_slice %arg11[%mul3A_4, %dma_start3A_34] : memref<1024x128xf32, #tpu.memory_space<hbm>> -> memref<32x128xf32, #tpu.memory_space<hbm>>
    tpu.enqueue_dma source(%arg17 : memref<32x128xf32, #tpu.memory_space<vmem>>) target(%dma_start3A_35 : memref<32x128xf32, #tpu.memory_space<hbm>>) target_semaphore(%arg23 : memref<!tpu.dma_semaphore, #tpu.memory_space<semaphore_mem>>)
    %broadcast_in_dim3A = arith.constant 0.000000e+00 : f32
    %broadcast_in_dim3A_36 = vector.broadcast %broadcast_in_dim3A : f32 to vector<16xf32>
    %broadcast_in_dim3A_37 = arith.constant 0.000000e+00 : f32
    %broadcast_in_dim3A_38 = vector.broadcast %broadcast_in_dim3A_37 : f32 to vector<16xf32>
    %broadcast_in_dim3A_39 = arith.constant 0.000000e+00 : f32
    %broadcast_in_dim3A_40 = vector.broadcast %broadcast_in_dim3A_39 : f32 to vector<16xf32>
    %broadcast_in_dim3A_41 = arith.constant 0.000000e+00 : f32
    %broadcast_in_dim3A_42 = vector.broadcast %broadcast_in_dim3A_41 : f32 to vector<16xf32>
    %broadcast_in_dim3A_43 = arith.constant 0.000000e+00 : f32
    %broadcast_in_dim3A_44 = vector.broadcast %broadcast_in_dim3A_43 : f32 to vector<16xf32>
    %broadcast_in_dim3A_45 = arith.constant 0.000000e+00 : f32
    %broadcast_in_dim3A_46 = vector.broadcast %broadcast_in_dim3A_45 : f32 to vector<16xf32>
    %broadcast_in_dim3A_47 = arith.constant 0.000000e+00 : f32
    %broadcast_in_dim3A_48 = vector.broadcast %broadcast_in_dim3A_47 : f32 to vector<16xf32>
    %broadcast_in_dim3A_49 = arith.constant 0.000000e+00 : f32
    %broadcast_in_dim3A_50 = vector.broadcast %broadcast_in_dim3A_49 : f32 to vector<16xf32>
    %dma_wait3A_51 = arith.constant 0 : i32
    %dma_wait3A_52 = arith.constant 0 : i32
    %dma_wait3A_53 = tpu.memref_slice %arg2[%dma_wait3A_51, %dma_wait3A_52] : memref<100000x128xf32, #tpu.memory_space<hbm>> -> memref<100000x128xf32, #tpu.memory_space<hbm>>
    tpu.wait_indirect_dma semaphore(%arg21 : memref<!tpu.dma_semaphore, #tpu.memory_space<semaphore_mem>>) src(%dma_wait3A_53 : memref<100000x128xf32, #tpu.memory_space<hbm>>) dst(%arg14 : memref<128x128xf32, #tpu.memory_space<vmem>>)
    %scan3A = arith.constant 0 : i32
    %scan3A_54 = arith.constant 128 : i32
    %scan3A_55 = arith.addi %scan3A, %scan3A_54 : i32
    %scan3A_56 = arith.constant 2 : i32
    %scan3A_57:8 = scf.for %scan3A_114 = %scan3A to %scan3A_55 step %scan3A_56 iter_args(%scan3A_115 = %broadcast_in_dim3A_36, %scan3A_116 = %broadcast_in_dim3A_38, %scan3A_117 = %broadcast_in_dim3A_40, %scan3A_118 = %broadcast_in_dim3A_42, %scan3A_119 = %broadcast_in_dim3A_44, %scan3A_120 = %broadcast_in_dim3A_46, %scan3A_121 = %broadcast_in_dim3A_48, %scan3A_122 = %broadcast_in_dim3A_50) -> (vector<16xf32>, vector<16xf32>, vector<16xf32>, vector<16xf32>, vector<16xf32>, vector<16xf32>, vector<16xf32>, vector<16xf32>)  : i32 {
      %get3A = arith.index_cast %scan3A_114 : i32 to index
      %get3A_123 = arith.constant 0 : index
      %get3A_124 = tpu.vector_load %arg14[%get3A, %get3A_123] {strides = array<i32>} : memref<128x128xf32, #tpu.memory_space<vmem>>, vector<1x16xf32>,
      %get3A_125 = vector.shape_cast %get3A_124 : vector<1x16xf32> to vector<16xf32>
      %add3A_126 = arith.addf %scan3A_115, %get3A_125 : vector<16xf32>
      %get3A_127 = arith.index_cast %scan3A_114 : i32 to index
      %get3A_128 = arith.constant 16 : index
      %get3A_129 = tpu.vector_load %arg14[%get3A_127, %get3A_128] {strides = array<i32>} : memref<128x128xf32, #tpu.memory_space<vmem>>, vector<1x16xf32>,
      %get3A_130 = vector.shape_cast %get3A_129 : vector<1x16xf32> to vector<16xf32>
      %add3A_131 = arith.addf %scan3A_116, %get3A_130 : vector<16xf32>
      %get3A_132 = arith.index_cast %scan3A_114 : i32 to index
      %get3A_133 = arith.constant 32 : index
      %get3A_134 = tpu.vector_load %arg14[%get3A_132, %get3A_133] {strides = array<i32>} : memref<128x128xf32, #tpu.memory_space<vmem>>, vector<1x16xf32>,
      %get3A_135 = vector.shape_cast %get3A_134 : vector<1x16xf32> to vector<16xf32>
      %add3A_136 = arith.addf %scan3A_117, %get3A_135 : vector<16xf32>
      %get3A_137 = arith.index_cast %scan3A_114 : i32 to index
      %get3A_138 = arith.constant 48 : index
      %get3A_139 = tpu.vector_load %arg14[%get3A_137, %get3A_138] {strides = array<i32>} : memref<128x128xf32, #tpu.memory_space<vmem>>, vector<1x16xf32>,
      %get3A_140 = vector.shape_cast %get3A_139 : vector<1x16xf32> to vector<16xf32>
      %add3A_141 = arith.addf %scan3A_118, %get3A_140 : vector<16xf32>
      %get3A_142 = arith.index_cast %scan3A_114 : i32 to index
      %get3A_143 = arith.constant 64 : index
      %get3A_144 = tpu.vector_load %arg14[%get3A_142, %get3A_143] {strides = array<i32>} : memref<128x128xf32, #tpu.memory_space<vmem>>, vector<1x16xf32>,
      %get3A_145 = vector.shape_cast %get3A_144 : vector<1x16xf32> to vector<16xf32>
      %add3A_146 = arith.addf %scan3A_119, %get3A_145 : vector<16xf32>
      %get3A_147 = arith.index_cast %scan3A_114 : i32 to index
      %get3A_148 = arith.constant 80 : index
      %get3A_149 = tpu.vector_load %arg14[%get3A_147, %get3A_148] {strides = array<i32>} : memref<128x128xf32, #tpu.memory_space<vmem>>, vector<1x16xf32>,
      %get3A_150 = vector.shape_cast %get3A_149 : vector<1x16xf32> to vector<16xf32>
      %add3A_151 = arith.addf %scan3A_120, %get3A_150 : vector<16xf32>
      %get3A_152 = arith.index_cast %scan3A_114 : i32 to index
      %get3A_153 = arith.constant 96 : index
      %get3A_154 = tpu.vector_load %arg14[%get3A_152, %get3A_153] {strides = array<i32>} : memref<128x128xf32, #tpu.memory_space<vmem>>, vector<1x16xf32>,
      %get3A_155 = vector.shape_cast %get3A_154 : vector<1x16xf32> to vector<16xf32>
      %add3A_156 = arith.addf %scan3A_121, %get3A_155 : vector<16xf32>
      %get3A_157 = arith.index_cast %scan3A_114 : i32 to index
      %get3A_158 = arith.constant 112 : index
      %get3A_159 = tpu.vector_load %arg14[%get3A_157, %get3A_158] {strides = array<i32>} : memref<128x128xf32, #tpu.memory_space<vmem>>, vector<1x16xf32>,
      %get3A_160 = vector.shape_cast %get3A_159 : vector<1x16xf32> to vector<16xf32>
      %add3A_161 = arith.addf %scan3A_122, %get3A_160 : vector<16xf32>
      %scan3A_162 = arith.constant 1 : i32
      %scan3A_163 = arith.addi %scan3A_114, %scan3A_162 : i32
      %get3A_164 = arith.index_cast %scan3A_163 : i32 to index
      %get3A_165 = arith.constant 0 : index
      %get3A_166 = tpu.vector_load %arg14[%get3A_164, %get3A_165] {strides = array<i32>} : memref<128x128xf32, #tpu.memory_space<vmem>>, vector<1x16xf32>,
      %get3A_167 = vector.shape_cast %get3A_166 : vector<1x16xf32> to vector<16xf32>
      %add3A_168 = arith.addf %add3A_126, %get3A_167 : vector<16xf32>
      %get3A_169 = arith.index_cast %scan3A_163 : i32 to index
      %get3A_170 = arith.constant 16 : index
      %get3A_171 = tpu.vector_load %arg14[%get3A_169, %get3A_170] {strides = array<i32>} : memref<128x128xf32, #tpu.memory_space<vmem>>, vector<1x16xf32>,
      %get3A_172 = vector.shape_cast %get3A_171 : vector<1x16xf32> to vector<16xf32>
      %add3A_173 = arith.addf %add3A_131, %get3A_172 : vector<16xf32>
      %get3A_174 = arith.index_cast %scan3A_163 : i32 to index
      %get3A_175 = arith.constant 32 : index
      %get3A_176 = tpu.vector_load %arg14[%get3A_174, %get3A_175] {strides = array<i32>} : memref<128x128xf32, #tpu.memory_space<vmem>>, vector<1x16xf32>,
      %get3A_177 = vector.shape_cast %get3A_176 : vector<1x16xf32> to vector<16xf32>
      %add3A_178 = arith.addf %add3A_136, %get3A_177 : vector<16xf32>
      %get3A_179 = arith.index_cast %scan3A_163 : i32 to index
      %get3A_180 = arith.constant 48 : index
      %get3A_181 = tpu.vector_load %arg14[%get3A_179, %get3A_180] {strides = array<i32>} : memref<128x128xf32, #tpu.memory_space<vmem>>, vector<1x16xf32>,
      %get3A_182 = vector.shape_cast %get3A_181 : vector<1x16xf32> to vector<16xf32>
      %add3A_183 = arith.addf %add3A_141, %get3A_182 : vector<16xf32>
      %get3A_184 = arith.index_cast %scan3A_163 : i32 to index
      %get3A_185 = arith.constant 64 : index
      %get3A_186 = tpu.vector_load %arg14[%get3A_184, %get3A_185] {strides = array<i32>} : memref<128x128xf32, #tpu.memory_space<vmem>>, vector<1x16xf32>,
      %get3A_187 = vector.shape_cast %get3A_186 : vector<1x16xf32> to vector<16xf32>
      %add3A_188 = arith.addf %add3A_146, %get3A_187 : vector<16xf32>
      %get3A_189 = arith.index_cast %scan3A_163 : i32 to index
      %get3A_190 = arith.constant 80 : index
      %get3A_191 = tpu.vector_load %arg14[%get3A_189, %get3A_190] {strides = array<i32>} : memref<128x128xf32, #tpu.memory_space<vmem>>, vector<1x16xf32>,
      %get3A_192 = vector.shape_cast %get3A_191 : vector<1x16xf32> to vector<16xf32>
      %add3A_193 = arith.addf %add3A_151, %get3A_192 : vector<16xf32>
      %get3A_194 = arith.index_cast %scan3A_163 : i32 to index
      %get3A_195 = arith.constant 96 : index
      %get3A_196 = tpu.vector_load %arg14[%get3A_194, %get3A_195] {strides = array<i32>} : memref<128x128xf32, #tpu.memory_space<vmem>>, vector<1x16xf32>,
      %get3A_197 = vector.shape_cast %get3A_196 : vector<1x16xf32> to vector<16xf32>
      %add3A_198 = arith.addf %add3A_156, %get3A_197 : vector<16xf32>
      %get3A_199 = arith.index_cast %scan3A_163 : i32 to index
      %get3A_200 = arith.constant 112 : index
      %get3A_201 = tpu.vector_load %arg14[%get3A_199, %get3A_200] {strides = array<i32>} : memref<128x128xf32, #tpu.memory_space<vmem>>, vector<1x16xf32>,
      %get3A_202 = vector.shape_cast %get3A_201 : vector<1x16xf32> to vector<16xf32>
      %add3A_203 = arith.addf %add3A_161, %get3A_202 : vector<16xf32>
      scf.yield %add3A_168, %add3A_173, %add3A_178, %add3A_183, %add3A_188, %add3A_193, %add3A_198, %add3A_203 : vector<16xf32>, vector<16xf32>, vector<16xf32>, vector<16xf32>, vector<16xf32>, vector<16xf32>, vector<16xf32>, vector<16xf32>
    }
    %scan3A_58 = arith.constant 128 : i32
    %swap3A = arith.constant 0 : i32
    %swap3A_59 = arith.index_cast %swap3A : i32 to index
    %swap3A_60 = arith.constant 0 : index
    %swap3A_61 = tpu.vector_load %arg20[%swap3A_59, %swap3A_60] {strides = array<i32>} : memref<1x128xf32, #tpu.memory_space<vmem>>, vector<1x16xf32>,
    %swap3A_62 = vector.shape_cast %swap3A_61 : vector<1x16xf32> to vector<16xf32>
    %swap3A_63 = vector.shape_cast %scan3A_57#0 : vector<16xf32> to vector<1x16xf32>
    tpu.vector_store %arg20[%swap3A_59, %swap3A_60], %swap3A_63 {strides = array<i32>} : memref<1x128xf32, #tpu.memory_space<vmem>>, vector<1x16xf32>,
    %swap3A_64 = arith.constant 0 : i32
    %swap3A_65 = arith.index_cast %swap3A_64 : i32 to index
    %swap3A_66 = arith.constant 16 : index
    %swap3A_67 = tpu.vector_load %arg20[%swap3A_65, %swap3A_66] {strides = array<i32>} : memref<1x128xf32, #tpu.memory_space<vmem>>, vector<1x16xf32>,
    %swap3A_68 = vector.shape_cast %swap3A_67 : vector<1x16xf32> to vector<16xf32>
    %swap3A_69 = vector.shape_cast %scan3A_57#1 : vector<16xf32> to vector<1x16xf32>
    tpu.vector_store %arg20[%swap3A_65, %swap3A_66], %swap3A_69 {strides = array<i32>} : memref<1x128xf32, #tpu.memory_space<vmem>>, vector<1x16xf32>,
    %swap3A_70 = arith.constant 0 : i32
    %swap3A_71 = arith.index_cast %swap3A_70 : i32 to index
    %swap3A_72 = arith.constant 32 : index
    %swap3A_73 = tpu.vector_load %arg20[%swap3A_71, %swap3A_72] {strides = array<i32>} : memref<1x128xf32, #tpu.memory_space<vmem>>, vector<1x16xf32>,
    %swap3A_74 = vector.shape_cast %swap3A_73 : vector<1x16xf32> to vector<16xf32>
    %swap3A_75 = vector.shape_cast %scan3A_57#2 : vector<16xf32> to vector<1x16xf32>
    tpu.vector_store %arg20[%swap3A_71, %swap3A_72], %swap3A_75 {strides = array<i32>} : memref<1x128xf32, #tpu.memory_space<vmem>>, vector<1x16xf32>,
    %swap3A_76 = arith.constant 0 : i32
    %swap3A_77 = arith.index_cast %swap3A_76 : i32 to index
    %swap3A_78 = arith.constant 48 : index
    %swap3A_79 = tpu.vector_load %arg20[%swap3A_77, %swap3A_78] {strides = array<i32>} : memref<1x128xf32, #tpu.memory_space<vmem>>, vector<1x16xf32>,
    %swap3A_80 = vector.shape_cast %swap3A_79 : vector<1x16xf32> to vector<16xf32>
    %swap3A_81 = vector.shape_cast %scan3A_57#3 : vector<16xf32> to vector<1x16xf32>
    tpu.vector_store %arg20[%swap3A_77, %swap3A_78], %swap3A_81 {strides = array<i32>} : memref<1x128xf32, #tpu.memory_space<vmem>>, vector<1x16xf32>,
    %swap3A_82 = arith.constant 0 : i32
    %swap3A_83 = arith.index_cast %swap3A_82 : i32 to index
    %swap3A_84 = arith.constant 64 : index
    %swap3A_85 = tpu.vector_load %arg20[%swap3A_83, %swap3A_84] {strides = array<i32>} : memref<1x128xf32, #tpu.memory_space<vmem>>, vector<1x16xf32>,
    %swap3A_86 = vector.shape_cast %swap3A_85 : vector<1x16xf32> to vector<16xf32>
    %swap3A_87 = vector.shape_cast %scan3A_57#4 : vector<16xf32> to vector<1x16xf32>
    tpu.vector_store %arg20[%swap3A_83, %swap3A_84], %swap3A_87 {strides = array<i32>} : memref<1x128xf32, #tpu.memory_space<vmem>>, vector<1x16xf32>,
    %swap3A_88 = arith.constant 0 : i32
    %swap3A_89 = arith.index_cast %swap3A_88 : i32 to index
    %swap3A_90 = arith.constant 80 : index
    %swap3A_91 = tpu.vector_load %arg20[%swap3A_89, %swap3A_90] {strides = array<i32>} : memref<1x128xf32, #tpu.memory_space<vmem>>, vector<1x16xf32>,
    %swap3A_92 = vector.shape_cast %swap3A_91 : vector<1x16xf32> to vector<16xf32>
    %swap3A_93 = vector.shape_cast %scan3A_57#5 : vector<16xf32> to vector<1x16xf32>
    tpu.vector_store %arg20[%swap3A_89, %swap3A_90], %swap3A_93 {strides = array<i32>} : memref<1x128xf32, #tpu.memory_space<vmem>>, vector<1x16xf32>,
    %swap3A_94 = arith.constant 0 : i32
    %swap3A_95 = arith.index_cast %swap3A_94 : i32 to index
    %swap3A_96 = arith.constant 96 : index
    %swap3A_97 = tpu.vector_load %arg20[%swap3A_95, %swap3A_96] {strides = array<i32>} : memref<1x128xf32, #tpu.memory_space<vmem>>, vector<1x16xf32>,
    %swap3A_98 = vector.shape_cast %swap3A_97 : vector<1x16xf32> to vector<16xf32>
    %swap3A_99 = vector.shape_cast %scan3A_57#6 : vector<16xf32> to vector<1x16xf32>
    tpu.vector_store %arg20[%swap3A_95, %swap3A_96], %swap3A_99 {strides = array<i32>} : memref<1x128xf32, #tpu.memory_space<vmem>>, vector<1x16xf32>,
    %swap3A_100 = arith.constant 0 : i32
    %swap3A_101 = arith.index_cast %swap3A_100 : i32 to index
    %swap3A_102 = arith.constant 112 : index
    %swap3A_103 = tpu.vector_load %arg20[%swap3A_101, %swap3A_102] {strides = array<i32>} : memref<1x128xf32, #tpu.memory_space<vmem>>, vector<1x16xf32>,
    %swap3A_104 = vector.shape_cast %swap3A_103 : vector<1x16xf32> to vector<16xf32>
    %swap3A_105 = vector.shape_cast %scan3A_57#7 : vector<16xf32> to vector<1x16xf32>
    tpu.vector_store %arg20[%swap3A_101, %swap3A_102], %swap3A_105 {strides = array<i32>} : memref<1x128xf32, #tpu.memory_space<vmem>>, vector<1x16xf32>,
    "tpu.region"() ({
      %run_scoped3A = tpu.sem_alloc : memref<!tpu.dma_semaphore, #tpu.memory_space<semaphore_mem>>
      %dma_start3A_114 = arith.constant 0 : i32
      %dma_start3A_115 = tpu.memref_slice %arg9[%add3A, %dma_start3A_114] : memref<32x128xf32, #tpu.memory_space<hbm>> -> memref<1x128xf32, #tpu.memory_space<hbm>>
      %dma_start3A_116 = arith.constant 0 : i32
      %dma_start3A_117 = tpu.memref_slice %arg9[%add3A, %dma_start3A_116] : memref<32x128xf32, #tpu.memory_space<hbm>> -> memref<1x128xf32, #tpu.memory_space<hbm>>
      tpu.enqueue_dma source(%arg20 : memref<1x128xf32, #tpu.memory_space<vmem>>) target(%dma_start3A_117 : memref<1x128xf32, #tpu.memory_space<hbm>>) target_semaphore(%run_scoped3A : memref<!tpu.dma_semaphore, #tpu.memory_space<semaphore_mem>>)
      %dma_wait3A_118 = arith.constant 0 : i32
      %dma_wait3A_119 = tpu.memref_slice %arg9[%add3A, %dma_wait3A_118] : memref<32x128xf32, #tpu.memory_space<hbm>> -> memref<1x128xf32, #tpu.memory_space<hbm>>
      %dma_wait3A_120 = arith.constant 0 : i32
      %dma_wait3A_121 = tpu.memref_slice %arg9[%add3A, %dma_wait3A_120] : memref<32x128xf32, #tpu.memory_space<hbm>> -> memref<1x128xf32, #tpu.memory_space<hbm>>
      tpu.wait_dma2 semaphore(%run_scoped3A : memref<!tpu.dma_semaphore, #tpu.memory_space<semaphore_mem>>) src(%arg20 : memref<1x128xf32, #tpu.memory_space<vmem>>) dst(%dma_wait3A_121 : memref<1x128xf32, #tpu.memory_space<hbm>>)
      tpu.yield
    }) : () -> ()
    %dma_wait3A_106 = arith.constant 0 : i32
    %dma_wait3A_107 = tpu.memref_slice %arg10[%mul3A_4, %dma_wait3A_106] : memref<1024x128xf32, #tpu.memory_space<hbm>> -> memref<32x128xf32, #tpu.memory_space<hbm>>
    %dma_wait3A_108 = arith.constant 0 : i32
    %dma_wait3A_109 = tpu.memref_slice %arg10[%mul3A_4, %dma_wait3A_108] : memref<1024x128xf32, #tpu.memory_space<hbm>> -> memref<32x128xf32, #tpu.memory_space<hbm>>
    tpu.wait_dma2 semaphore(%arg22 : memref<!tpu.dma_semaphore, #tpu.memory_space<semaphore_mem>>) src(%arg16 : memref<32x128xf32, #tpu.memory_space<vmem>>) dst(%dma_wait3A_109 : memref<32x128xf32, #tpu.memory_space<hbm>>)
    %dma_wait3A_110 = arith.constant 0 : i32
    %dma_wait3A_111 = tpu.memref_slice %arg11[%mul3A_4, %dma_wait3A_110] : memref<1024x128xf32, #tpu.memory_space<hbm>> -> memref<32x128xf32, #tpu.memory_space<hbm>>
    %dma_wait3A_112 = arith.constant 0 : i32
    %dma_wait3A_113 = tpu.memref_slice %arg11[%mul3A_4, %dma_wait3A_112] : memref<1024x128xf32, #tpu.memory_space<hbm>> -> memref<32x128xf32, #tpu.memory_space<hbm>>
    tpu.wait_dma2 semaphore(%arg23 : memref<!tpu.dma_semaphore, #tpu.memory_space<semaphore_mem>>) src(%arg17 : memref<32x128xf32, #tpu.memory_space<vmem>>) dst(%dma_wait3A_113 : memref<32x128xf32, #tpu.memory_space<hbm>>)
    return
  }
}

module attributes {stable_mosaic.version = 14 : i64} {
  func.func @_tc_body(%arg0: memref<1024x128xf32, #tpu.memory_space<vmem>>, %arg1: memref<1024x128xf32, #tpu.memory_space<vmem>>, %arg2: memref<259x64xf32, #tpu.memory_space<vmem>>, %arg3: memref<64x1xf32, #tpu.memory_space<vmem>>, %arg4: memref<32x128xf32, #tpu.memory_space<vmem>>, %arg5: memref<1x128xf32, #tpu.memory_space<vmem>>, %arg6: memref<1x128xf32, #tpu.memory_space<vmem>>, %arg7: memref<1x256xf32, #tpu.memory_space<vmem>>) attributes {dimension_semantics = [], scalar_prefetch = 0 : i64, scratch_operands = 0 : i64, tpu.core_type = #tpu.core_type<tc>} {
    %get3A = arith.constant 0 : index
    %get3A_0 = arith.constant 0 : index
    %get3A_1 = vector.load %arg0[%get3A, %get3A_0] : memref<1024x128xf32, #tpu.memory_space<vmem>>, vector<1024x128xf32>
    %get3A_2 = arith.constant 0 : index
    %get3A_3 = arith.constant 0 : index
    %get3A_4 = vector.load %arg1[%get3A_2, %get3A_3] : memref<1024x128xf32, #tpu.memory_space<vmem>>, vector<1024x128xf32>
    %get3A_5 = arith.constant 0 : index
    %get3A_6 = arith.constant 0 : index
    %get3A_7 = vector.load %arg2[%get3A_5, %get3A_6] : memref<259x64xf32, #tpu.memory_space<vmem>>, vector<128x64xf32>
    %dot_general3A = arith.constant dense<0.000000e+00> : vector<1024x64xf32>
    %dot_general3A_8 = tpu.matmul %get3A_1, %get3A_7, %dot_general3A {dimension_numbers = #tpu.dot_dimension_numbers<[1], [0], [0], [1], [0, 0, 1, 1], [], []>, transpose_lhs_hint = false} : vector<1024x128xf32>, vector<128x64xf32>, vector<1024x64xf32> -> vector<1024x64xf32>
    %get3A_9 = arith.constant 128 : index
    %get3A_10 = arith.constant 0 : index
    %get3A_11 = vector.load %arg2[%get3A_9, %get3A_10] : memref<259x64xf32, #tpu.memory_space<vmem>>, vector<128x64xf32>
    %dot_general3A_12 = arith.constant dense<0.000000e+00> : vector<1024x64xf32>
    %dot_general3A_13 = tpu.matmul %get3A_4, %get3A_11, %dot_general3A_12 {dimension_numbers = #tpu.dot_dimension_numbers<[1], [0], [0], [1], [0, 0, 1, 1], [], []>, transpose_lhs_hint = false} : vector<1024x128xf32>, vector<128x64xf32>, vector<1024x64xf32> -> vector<1024x64xf32>
    %add3A = arith.addf %dot_general3A_8, %dot_general3A_13 : vector<1024x64xf32>
    %get3A_14 = arith.constant 256 : index
    %get3A_15 = arith.constant 0 : index
    %get3A_16 = vector.load %arg2[%get3A_14, %get3A_15] : memref<259x64xf32, #tpu.memory_space<vmem>>, vector<1x64xf32>
    %add3A_17 = vector.broadcast %get3A_16 : vector<1x64xf32> to vector<1024x64xf32>
    %add3A_18 = arith.addf %add3A, %add3A_17 : vector<1024x64xf32>
    %max3A = arith.constant 0.000000e+00 : f32
    %max3A_19 = vector.broadcast %max3A : f32 to vector<1024x64xf32>
    %max3A_20 = arith.maximumf %add3A_18, %max3A_19 : vector<1024x64xf32>
    %get3A_21 = arith.constant 0 : index
    %get3A_22 = arith.constant 0 : index
    %get3A_23 = vector.load %arg3[%get3A_21, %get3A_22] : memref<64x1xf32, #tpu.memory_space<vmem>>, vector<64x1xf32>
    %dot_general3A_24 = arith.constant dense<0.000000e+00> : vector<1024x1xf32>
    %dot_general3A_25 = tpu.matmul %max3A_20, %get3A_23, %dot_general3A_24 {dimension_numbers = #tpu.dot_dimension_numbers<[1], [0], [0], [1], [0, 0, 1, 1], [], []>, transpose_lhs_hint = false} : vector<1024x64xf32>, vector<64x1xf32>, vector<1024x1xf32> -> vector<1024x1xf32>
    %get3A_26 = arith.constant 257 : index
    %get3A_27 = arith.constant 0 : index
    %get3A_28 = vector.load %arg2[%get3A_26, %get3A_27] : memref<259x64xf32, #tpu.memory_space<vmem>>, vector<1x64xf32>
    %reduce_sum3A = vector.shape_cast %get3A_28 : vector<1x64xf32> to vector<1x1x64xf32>
    %reduce_sum3A_29 = arith.constant dense<0.000000e+00> : vector<1xf32>
    %reduce_sum3A_30 = vector.multi_reduction <add>, %reduce_sum3A, %reduce_sum3A_29 [1, 2] : vector<1x1x64xf32> to vector<1xf32>
    %reduce_sum3A_31 = vector.shape_cast %reduce_sum3A_30 : vector<1xf32> to vector<1x1x1xf32>
    %reduce_sum3A_32 = vector.extract %reduce_sum3A_31[0, 0, 0] : f32 from vector<1x1x1xf32>
    %add3A_33 = vector.broadcast %reduce_sum3A_32 : f32 to vector<1024x1xf32>
    %add3A_34 = arith.addf %dot_general3A_25, %add3A_33 : vector<1024x1xf32>
    %reduce_max3A = vector.shape_cast %add3A_34 : vector<1024x1xf32> to vector<1x1024x1xf32>
    %reduce_max3A_35 = arith.constant dense<0xFF800000> : vector<1xf32>
    %reduce_max3A_36 = vector.multi_reduction <maximumf>, %reduce_max3A, %reduce_max3A_35 [1, 2] : vector<1x1024x1xf32> to vector<1xf32>
    %reduce_max3A_37 = vector.shape_cast %reduce_max3A_36 : vector<1xf32> to vector<1x1x1xf32>
    %reduce_max3A_38 = vector.extract %reduce_max3A_37[0, 0, 0] : f32 from vector<1x1x1xf32>
    %sub3A = vector.broadcast %reduce_max3A_38 : f32 to vector<1024x1xf32>
    %sub3A_39 = arith.subf %add3A_34, %sub3A : vector<1024x1xf32>
    %exp3A = math.exp %sub3A_39 : vector<1024x1xf32>
    %reduce_sum3A_40 = vector.shape_cast %exp3A : vector<1024x1xf32> to vector<1x1024x1xf32>
    %reduce_sum3A_41 = arith.constant dense<0.000000e+00> : vector<1xf32>
    %reduce_sum3A_42 = vector.multi_reduction <add>, %reduce_sum3A_40, %reduce_sum3A_41 [1, 2] : vector<1x1024x1xf32> to vector<1xf32>
    %reduce_sum3A_43 = vector.shape_cast %reduce_sum3A_42 : vector<1xf32> to vector<1x1x1xf32>
    %reduce_sum3A_44 = vector.extract %reduce_sum3A_43[0, 0, 0] : f32 from vector<1x1x1xf32>
    %div3A = arith.constant 1.000000e+00 : f32
    %div3A_45 = arith.divf %div3A, %reduce_sum3A_44 : f32
    %dot_general3A_46 = arith.constant dense<0.000000e+00> : vector<1x128xf32>
    %dot_general3A_47 = tpu.matmul %exp3A, %get3A_1, %dot_general3A_46 {dimension_numbers = #tpu.dot_dimension_numbers<[0], [0], [1], [1], [0, 1, 1, 1], [], []>, transpose_lhs_hint = false} : vector<1024x1xf32>, vector<1024x128xf32>, vector<1x128xf32> -> vector<1x128xf32>
    %mul3A = vector.broadcast %div3A_45 : f32 to vector<1x128xf32>
    %mul3A_48 = arith.mulf %dot_general3A_47, %mul3A : vector<1x128xf32>
    %dot_general3A_49 = arith.constant dense<0.000000e+00> : vector<1x128xf32>
    %dot_general3A_50 = tpu.matmul %exp3A, %get3A_4, %dot_general3A_49 {dimension_numbers = #tpu.dot_dimension_numbers<[0], [0], [1], [1], [0, 1, 1, 1], [], []>, transpose_lhs_hint = false} : vector<1024x1xf32>, vector<1024x128xf32>, vector<1x128xf32> -> vector<1x128xf32>
    %mul3A_51 = vector.broadcast %div3A_45 : f32 to vector<1x128xf32>
    %mul3A_52 = arith.mulf %dot_general3A_50, %mul3A_51 : vector<1x128xf32>
    %get3A_53 = arith.constant 0 : index
    %get3A_54 = arith.constant 0 : index
    %get3A_55 = vector.load %arg4[%get3A_53, %get3A_54] : memref<32x128xf32, #tpu.memory_space<vmem>>, vector<32x128xf32>
    %reduce_sum3A_56 = arith.constant dense<0.000000e+00> : vector<128xf32>
    %reduce_sum3A_57 = vector.multi_reduction <add>, %get3A_55, %reduce_sum3A_56 [0] : vector<32x128xf32> to vector<128xf32>
    %broadcast_in_dim3A = vector.shape_cast %reduce_sum3A_57 : vector<128xf32> to vector<1x128xf32>
    %mul3A_58 = arith.constant 2.44140625E-4 : f32
    %mul3A_59 = vector.broadcast %mul3A_58 : f32 to vector<1x128xf32>
    %mul3A_60 = arith.mulf %broadcast_in_dim3A, %mul3A_59 : vector<1x128xf32>
    %get3A_61 = arith.constant 0 : index
    %get3A_62 = arith.constant 0 : index
    %get3A_63 = vector.load %arg5[%get3A_61, %get3A_62] : memref<1x128xf32, #tpu.memory_space<vmem>>, vector<1x128xf32>
    %get3A_64 = arith.constant 258 : index
    %get3A_65 = arith.constant 0 : index
    %get3A_66 = vector.load %arg2[%get3A_64, %get3A_65] : memref<259x64xf32, #tpu.memory_space<vmem>>, vector<1x4xf32>
    %reduce_max3A_67 = vector.shape_cast %get3A_66 : vector<1x4xf32> to vector<1x1x4xf32>
    %reduce_max3A_68 = arith.constant dense<0xFF800000> : vector<1xf32>
    %reduce_max3A_69 = vector.multi_reduction <maximumf>, %reduce_max3A_67, %reduce_max3A_68 [1, 2] : vector<1x1x4xf32> to vector<1xf32>
    %reduce_max3A_70 = vector.shape_cast %reduce_max3A_69 : vector<1xf32> to vector<1x1x1xf32>
    %reduce_max3A_71 = vector.extract %reduce_max3A_70[0, 0, 0] : f32 from vector<1x1x1xf32>
    %sub3A_72 = vector.broadcast %reduce_max3A_71 : f32 to vector<1x4xf32>
    %sub3A_73 = arith.subf %get3A_66, %sub3A_72 : vector<1x4xf32>
    %exp3A_74 = math.exp %sub3A_73 : vector<1x4xf32>
    %reduce_sum3A_75 = vector.shape_cast %exp3A_74 : vector<1x4xf32> to vector<1x1x4xf32>
    %reduce_sum3A_76 = arith.constant dense<0.000000e+00> : vector<1xf32>
    %reduce_sum3A_77 = vector.multi_reduction <add>, %reduce_sum3A_75, %reduce_sum3A_76 [1, 2] : vector<1x1x4xf32> to vector<1xf32>
    %reduce_sum3A_78 = vector.shape_cast %reduce_sum3A_77 : vector<1xf32> to vector<1x1x1xf32>
    %reduce_sum3A_79 = vector.extract %reduce_sum3A_78[0, 0, 0] : f32 from vector<1x1x1xf32>
    %div3A_80 = vector.broadcast %reduce_sum3A_79 : f32 to vector<1x4xf32>
    %div3A_81 = arith.divf %exp3A_74, %div3A_80 : vector<1x4xf32>
    %slice3A = vector.extract_strided_slice %div3A_81 {offsets = [0, 0], sizes = [1, 1], strides = [1, 1]} : vector<1x4xf32> to vector<1x1xf32>
    %slice3A_82 = vector.extract_strided_slice %div3A_81 {offsets = [0, 1], sizes = [1, 1], strides = [1, 1]} : vector<1x4xf32> to vector<1x1xf32>
    %slice3A_83 = vector.extract_strided_slice %div3A_81 {offsets = [0, 2], sizes = [1, 1], strides = [1, 1]} : vector<1x4xf32> to vector<1x1xf32>
    %slice3A_84 = vector.extract_strided_slice %div3A_81 {offsets = [0, 3], sizes = [1, 1], strides = [1, 1]} : vector<1x4xf32> to vector<1x1xf32>
    %mul3A_85 = vector.broadcast %slice3A : vector<1x1xf32> to vector<1x128xf32>
    %mul3A_86 = arith.mulf %mul3A_85, %mul3A_48 : vector<1x128xf32>
    %mul3A_87 = vector.broadcast %slice3A_82 : vector<1x1xf32> to vector<1x128xf32>
    %mul3A_88 = arith.mulf %mul3A_87, %get3A_63 : vector<1x128xf32>
    %add3A_89 = arith.addf %mul3A_86, %mul3A_88 : vector<1x128xf32>
    %mul3A_90 = vector.broadcast %slice3A_83 : vector<1x1xf32> to vector<1x128xf32>
    %mul3A_91 = arith.mulf %mul3A_90, %mul3A_60 : vector<1x128xf32>
    %add3A_92 = arith.addf %add3A_89, %mul3A_91 : vector<1x128xf32>
    %get3A_93 = arith.constant 0 : index
    %get3A_94 = arith.constant 0 : index
    %get3A_95 = vector.load %arg6[%get3A_93, %get3A_94] : memref<1x128xf32, #tpu.memory_space<vmem>>, vector<1x128xf32>
    %mul3A_96 = vector.broadcast %slice3A_84 : vector<1x1xf32> to vector<1x128xf32>
    %mul3A_97 = arith.mulf %mul3A_96, %get3A_95 : vector<1x128xf32>
    %add3A_98 = arith.addf %add3A_92, %mul3A_97 : vector<1x128xf32>
    %mul3A_99 = vector.broadcast %slice3A : vector<1x1xf32> to vector<1x128xf32>
    %mul3A_100 = arith.mulf %mul3A_99, %mul3A_52 : vector<1x128xf32>
    %swap3A = arith.constant 0 : index
    %swap3A_101 = arith.constant 0 : index
    %swap3A_102 = vector.load %arg7[%swap3A, %swap3A_101] : memref<1x256xf32, #tpu.memory_space<vmem>>, vector<1x128xf32>
    tpu.vector_store %arg7[%swap3A, %swap3A_101], %add3A_98 {strides = array<i32>} : memref<1x256xf32, #tpu.memory_space<vmem>>, vector<1x128xf32>,
    %swap3A_103 = arith.constant 0 : index
    %swap3A_104 = arith.constant 128 : index
    %swap3A_105 = vector.load %arg7[%swap3A_103, %swap3A_104] : memref<1x256xf32, #tpu.memory_space<vmem>>, vector<1x128xf32>
    tpu.vector_store %arg7[%swap3A_103, %swap3A_104], %mul3A_100 {strides = array<i32>} : memref<1x256xf32, #tpu.memory_space<vmem>>, vector<1x128xf32>,
    return
  }
}

</mosaic_0001>

<sc_bundles>
// kernel: kernel.4.cloned.1.call-start
scs
__scs_entry_jumppad:
0x0: {  	(pc) =	sbr.rel $0x88, $3  }
0x1: {  	(tag) =	ssettag $0x0;
	lr =	simm.s32 $0x1  }
0x2: {  	[smem:$0x3F91] =	sst lr;
	_ =	strace $0xD0000000  }
0x3: {  	_ = 	snop  }
0x4: {  	_ = 	snop  }
0x5: {  	_ = 	snop  }
0x6: {  	_ = 	snop  }
0x7: {  	_ = 	snop  }
__scs_overlays_trampoline_lowered:
0x8: {  	[smem:$0x3FA0] =	sst s0  }
0x9: {  	[smem:$0x3FA1] =	sst s1  }
0xa: {  	[smem:$0x3FA2] =	sst s2  }
0xb: {  	[smem:$0x3FA3] =	sst s3  }
0xc: {  	[smem:$0x3FA4] =	sst s4  }
0xd: {  	[smem:$0x3FA5] =	sst s5  }
0xe: {  	[smem:$0x3FA6] =	sst s6  }
0xf: {  	[smem:$0x3FA7] =	sst s7  }
0x10: {  	[smem:$0x3FA8] =	sst s8  }
0x11: {  	[smem:$0x3FA9] =	sst s9;
	s0 =	simm.s32 @!p0 $0x0  }
0x12: {  	s1 =	sld [smem:$0x3F8F];
	s0 =	simm.s32 @p0 $0x1  }
0x13: {  	[smem:$0x3FAA] =	sst s0;
	s0 =	simm.s32 @!p1 $0x0  }
0x14: {  	s2 =	sld [smem:$0x3F8E];
	s0 =	simm.s32 @p1 $0x1  }
0x15: {  	[smem:$0x3FAB] =	sst s0;
	s0 =	simm.s32 @!p2 $0x0  }
0x16: {  	s3 =	sld [smem:$0x3FDB];
	s0 =	simm.s32 @p2 $0x1  }
0x17: {  	s4 =	simm.s32 $0x1BF5;
	[smem:$0x3FAD] =	sst s0  }
0x18: {  	s0 =	sld [smem:$0x3F90];
	_ =	swait.ge [sflag:s4], $0x0  }
0x19: {  	s7 =	sld [smem:$0x3F91]  }
0x1a: {  	s8 =	sadd.s32 $0xFFFFE003, lr  }
0x1b: {  	s9 =	sadd.s32 $0xFFFFFEF7, lr;
	s5 =	simm.s32 $0xFFFFFFFF;
	p2 =	slt.u32 s8, $0xFFFFF086  }
0x1c: {  	p1 =	slt.u32 s9, $0xF7A;
	s5 =	simm.s32 @!p2 $0x0  }
0x1d: {  	s5 =	simm.s32 @p1 $0x1;
	p0 =	seq.s32 s7, s2  }
0x1e: {  	s7 =	smul.u32 @!p0 $0xF7A, s2;
	p2 =	seq.s32 @!p0 s5, $0x0  }
0x1f: {  	s9 =	smul.u32 $0xF7A, s1;
	s8 =	simm.s32 @!p0 $0x1BF5;
	p2 =	por !p2, p0  }
0x20: {  	[sflag:s8] =	ssyncset.s32 @!p0 $0xFFFFF086;
	s6 =	sadd.s32 @!p0 s3, s7;
	s7 =	simm.s32 @!p0 $0x108  }
0x21: {  	s3 =	sadd.s32 s3, s9;
	s6 =	sadd.s32 @!p0 $0x88, s6;
	s7 =	simm.s32 @p2 $0x1082  }
0x22: {  	[simem:s7], [sflag:s8] =	dma.local @!p0 [hbm:s6], $0xF7A  }
0x23: {  	s9 =	sor.u32 $0xD0000000, s2;
	s6 =	simm.s32 $0x108;
	_ =	swait.ge @!p0 [sflag:s8], $0x0  }
0x24: {  	s3 =	sadd.s32 $0x88, s3;
	s6 =	simm.s32 @!p1 $0x1082;
	[sflag:s4] =	ssyncset.s32 $0xFFFFF086  }
0x25: {  	[simem:s6], [sflag:s4] =	dma.local [hbm:s3], $0xF7A  }
0x26: {  	[smem:$0x3F91] =	sst s1;
	(tag) =	ssettag s2;
	_ =	strace s9  }
0x27: {  	s1 =	sld [smem:$0x3FA1]  }
0x28: {  	s2 =	sld [smem:$0x3FA2]  }
0x29: {  	s4 =	sld [smem:$0x3FA4]  }
0x2a: {  	p0 =	seq.s32 s5, $0x0;
	s5 =	sld [smem:$0x3FA5]  }
0x2b: {  	s6 =	sld [smem:$0x3FA6]  }
0x2c: {  	s7 =	sld [smem:$0x3FA7]  }
0x2d: {  	s3 =	simm.s32 $0x108;
	s8 =	sld [smem:$0x3FA8]  }
0x2e: {  	s3 =	simm.s32 @!p0 $0x1082;
	s9 =	sld [smem:$0x3FA9]  }
0x2f: {  	lr =	sadd.s32 s0, s3;
	s0 =	sld [smem:$0x3FA0]  }
0x30: {  	s3 =	sld [smem:$0x3FA3]  }
0x31: {  	[smem:$0x3FAC] =	sst s10  }
0x32: {  	s10 =	sld [smem:$0x3FAA];
	_ =	sdelay $0x3  }
0x33: {  	p0 =	seq.s32 s10, $0x1;
	s10 =	sld [smem:$0x3FAC];
	_ =	sdelay $0x3  }
0x34: {  	[smem:$0x3FAC] =	sst s10  }
0x35: {  	s10 =	sld [smem:$0x3FAB];
	_ =	sdelay $0x3  }
0x36: {  	p1 =	seq.s32 s10, $0x1;
	s10 =	sld [smem:$0x3FAC];
	_ =	sdelay $0x3  }
0x37: {  	[smem:$0x3FAC] =	sst s10  }
0x38: {  	s10 =	sld [smem:$0x3FAD]  }
0x39: {  	_ = 	snop;
	(pc) =	sbr.ind lr, $3  }
0x3a: {  	_ = 	snop  }
0x3b: {  	_ = 	snop  }
0x3c: {  	p2 =	seq.s32 s10, $0x1;
	s10 =	sld [smem:$0x3FAC]  }
0x3d: {  	_ =	shalt  }
0x3e: {  	_ =	shalt  }
0x3f: {  	_ =	shalt  }
0x40: {  	_ =	shalt  }
0x41: {  	_ =	shalt  }
0x42: {  	_ =	shalt  }
0x43: {  	_ =	shalt  }
0x44: {  	_ =	shalt  }
0x45: {  	_ =	shalt  }
0x46: {  	_ =	shalt  }
0x47: {  	_ =	shalt  }
0x48: {  	_ =	shalt  }
0x49: {  	_ =	shalt  }
0x4a: {  	_ =	shalt  }
0x4b: {  	_ =	shalt  }
0x4c: {  	_ =	shalt  }
0x4d: {  	_ =	shalt  }
0x4e: {  	_ =	shalt  }
0x4f: {  	_ =	shalt  }
0x50: {  	_ =	shalt  }
0x51: {  	_ =	shalt  }
0x52: {  	_ =	shalt  }
0x53: {  	_ =	shalt  }
0x54: {  	_ =	shalt  }
0x55: {  	_ =	shalt  }
0x56: {  	_ =	shalt  }
0x57: {  	_ =	shalt  }
0x58: {  	_ =	shalt  }
0x59: {  	_ =	shalt  }
0x5a: {  	_ =	shalt  }
0x5b: {  	_ =	shalt  }
0x5c: {  	_ =	shalt  }
0x5d: {  	_ =	shalt  }
0x5e: {  	_ =	shalt  }
0x5f: {  	_ =	shalt  }
0x60: {  	_ =	shalt  }
0x61: {  	_ =	shalt  }
0x62: {  	_ =	shalt  }
0x63: {  	_ =	shalt  }
0x64: {  	_ =	shalt  }
0x65: {  	_ =	shalt  }
0x66: {  	_ =	shalt  }
0x67: {  	_ =	shalt  }
0x68: {  	_ =	shalt  }
0x69: {  	_ =	shalt  }
0x6a: {  	_ =	shalt  }
0x6b: {  	_ =	shalt  }
0x6c: {  	_ =	shalt  }
0x6d: {  	_ =	shalt  }
0x6e: {  	_ =	shalt  }
0x6f: {  	_ =	shalt  }
0x70: {  	_ =	shalt  }
0x71: {  	_ =	shalt  }
0x72: {  	_ =	shalt  }
0x73: {  	_ =	shalt  }
0x74: {  	_ =	shalt  }
0x75: {  	_ =	shalt  }
0x76: {  	_ =	shalt  }
0x77: {  	_ =	shalt  }
0x78: {  	_ =	shalt  }
0x79: {  	_ =	shalt  }
0x7a: {  	_ =	shalt  }
0x7b: {  	_ =	shalt  }
0x7c: {  	_ =	shalt  }
0x7d: {  	_ =	shalt  }
0x7e: {  	_ =	shalt  }
0x7f: {  	_ =	shalt  }
0x80: {  	_ =	shalt  }
0x81: {  	_ =	shalt  }
0x82: {  	_ =	shalt  }
0x83: {  	_ =	shalt  }
0x84: {  	_ =	shalt  }
0x85: {  	_ =	shalt  }
0x86: {  	_ =	shalt  }
0x87: {  	_ =	shalt  }
.Lfunc_end0:
.L_simem_size_0:
called_computation_lowered:
.L_overlay_start_0:
0x88: {  	s2 =	sld [smem:$0x3FD9]  }
0x89: {  	s3 =	sld [smem:$0x3FFE];
	_ =	sdelay $0x1  }
0x8a: {  	s1 =	srdreg.scid  }
0x8b: {  	s0 =	sand.u32 $0x1, s1  }
0x8c: {  	s17 =	sshll.u32 s0, $0xA;
	s2 =	sadd.s32 s3, s2  }
0x8d: {  	s2 =	sadd.s32 s2, s17  }
0x8e: {  	[smem:$0x3FB8] =	sst s2  }
0x8f: {  	_ = 	snop  }
0x90: {  	s2 =	sld [smem:$0x3FC9]  }
0x91: {  	s18 =	sld [smem:$0x3FC8]  }
0x92: {  	s4 =	sld [smem:$0x3FC7]  }
0x93: {  	s5 =	sld [smem:$0x3FC6]  }
0x94: {  	s6 =	sld [smem:$0x3FBC]  }
0x95: {  	s7 =	sld [smem:$0x3FBB]  }
0x96: {  	s8 =	sld [smem:$0x3FBA];
	(tm) =	ssettm $0x1  }
0x97: {  	s9 =	sld [smem:$0x3FFB];
	_ =	sdelay $0x3  }
0x98: {  	_ =	strace s9  }
0x99: {  	s9 =	sld [smem:$0x3FFC];
	_ =	sdelay $0x3  }
0x9a: {  	_ =	strace s9  }
0x9b: {  	s9 =	sld [smem:$0x3FFD];
	_ =	sdelay $0x3  }
0x9c: {  	_ =	strace s9  }
0x9d: {  	_ =	strace $0x8FFFFFFF  }
0x9e: {  	s19 =	sld [smem:$0x3FDB];
	_ =	sdelay $0x1  }
0x9f: {  	s10 =	simm.s32 $_scs_section_size  }
0xa0: {  	s11 =	simm.s32 $_size__tile_overlayer_lowered;
	s12 =	simm.s32 $_tile_overlayer_lowered  }
0xa1: {  	s22 =	simm.s32 $0x1BFF;
	s21 =	sshll.u32 s12, $0x1;
	s9 =	sadd.s32 s10, s19  }
0xa2: {  	s13 =	simm.s32 $0x0;
	s20 =	sshll.u32 s11, $0x1;
	s11 =	sadd.s32 s21, s9  }
0xa3: {  	[timem:s13], [sflag:s22] =	dma.local [hbm:s11], s20  }
0xa4: {  	_ =	swait.ge [sflag:s22], s20  }
0xa5: {  	s10 =	ssub.s32 $0x0, s20;
	[sflag:s22] =	ssyncset.done $0x0  }
0xa6: {  	[sflag:s22] =	ssyncadd.s32 s10;
	_ =	sdelay $0x1  }
0xa7: {  	s23 =	simm.s32 $0x1B8B  }
0xa8: {  	_ =	swait.ge [sflag:s23], $0x1  }
0xa9: {  	[sflag:s23] =	ssyncset.done $0x0  }
0xaa: {  	s25 =	simm.s32 $0x1B8E;
	s24 =	sld [smem:$0x3FFE];
	[sflag:s23] =	ssyncadd.s32 $0xFFFFFFFF  }
0xab: {  	s26 =	simm.s32 $execute0_lowered;
	[smem:$0x3FD2] =	sst s25  }
0xac: {  	s11 =	sshll.u32 s26, $0x1;
	_ =	strace $0x80000046;
	[dreg:$0x1] =	wrdreg $0xFFFFFFFF  }
0xad: {  	s28 =	simm.s32 $_size_execute0_lowered;
	s9 =	sadd.s32 s9, s11;
	[dreg:$0x0] =	wrdreg $0x0  }
0xae: {  	s11 =	sshll.u32 s28, $0x1;
	[dreg:$0x2] =	wrdreg s9  }
0xaf: {  	[dreg:$0x3] =	wrdreg s11  }
0xb0: {  	[dreg:$0x4] =	wrdreg $0xC0  }
0xb1: {  	_ =	task [dreg:s13], $0x5FFFF  }
0xb2: {  	[dreg:$0x1] =	wrdreg $0xFFFFFFFF  }
0xb3: {  	[dreg:$0x0] =	wrdreg $0x60  }
0xb4: {  	[dreg:$0x2] =	wrdreg s2  }
0xb5: {  	[dreg:$0x3] =	wrdreg s18  }
0xb6: {  	[dreg:$0x4] =	wrdreg s4  }
0xb7: {  	[dreg:$0x5] =	wrdreg s5  }
0xb8: {  	[dreg:$0x6] =	wrdreg s8  }
0xb9: {  	[dreg:$0x7] =	wrdreg s6  }
0xba: {  	[dreg:$0x8] =	wrdreg s7  }
0xbb: {  	[dreg:$0x9] =	wrdreg s24  }
0xbc: {  	[dreg:$0xa] =	wrdreg $0x9  }
0xbd: {  	_ =	task.clear_ibuf [dreg:s13], $0xBFFFF;
	_ =	strace $0x90000046  }
0xbe: {  	s29 =	simm.s32 $0x9;
	_ =	strace $0x80000048  }
0xbf: {  	_ =	swait.ge [sflag:s29], $0x1  }
0xc0: {  	[sflag:s29] =	ssyncadd.s32 $0xFFFFFFFF  }
0xc1: {  	_ =	strace $0x90000048  }
0xc2: {  	_ =	sfence  }
0xc3: {  	s30 =	sld [smem:$0x0];
	_ =	sdelay $0x2  }
0xc4: {  	s31 =	sshll.u32 s1, $0xD;
	s1 =	sshrl.u32 s1, $0x2  }
0xc5: {  	s3 =	sand.u32 $0x4000, s31;
	s1 =	sadd.s32 s1, s30  }
0xc6: {  	s0 =	sor.u32 s3, s0;
	s1 =	sshll.u32 s1, $0x11  }
0xc7: {  	s0 =	sor.u32 s1, s0  }
0xc8: {  	s0 =	sadd.s32 $0x8F2B, s0  }
0xc9: {  	[sflag:s0] =	ssyncadd.remote.s32 $0x1  }
0xca: {  	_ =	sfence.sel $0xFFFF  }
0xcb: {  	[dreg:$0x0] =	wrdreg $0xFFFFFFFF;
	(pc) =	sbr.abs _section_cstart, $3  }
0xcc: {  	[dreg:$0x1] =	wrdreg $0xFFFFFFFF  }
0xcd: {  	_ =	task.clear_ibuf [dreg:s13], $0x2FFFF;
	_ =	strace $0x9FFFFFFF  }
0xce: {  	(tm) =	ssettm $0x7FFFFFFF  }
0xcf: {  	_ =	shalt  }
tec
execute0_lowered:
.L_overlay_start_1:
0x0: {  	(tag) =	ssettag $0x1  }
0x1: {  	s0 =	rddreg [dreg:$0x0]  }
0x2: {  	s1 =	rddreg [dreg:$0x1]  }
0x3: {  	s3 =	rddreg [dreg:$0x2]  }
0x4: {  	s4 =	rddreg [dreg:$0x3]  }
0x5: {  	s10 =	rddreg [dreg:$0x4]  }
0x6: {  	s9 =	rddreg [dreg:$0x5]  }
0x7: {  	s5 =	rddreg [dreg:$0x6]  }
0x8: {  	s8 =	rddreg [dreg:$0x7]  }
0x9: {  	s2 =	rddreg [dreg:$0x8];
	s7 =	simm.s32 $0x0;
	s11 =	srdreg.scid  }
0xa: {  	s6 =	stileid.u32;
	s17 =	simm.s32 $0x20;
	s18 =	simm.s32 $0x4100  }
0xb: {  	s19 =	simm.s32 $0x5100;
	s20 =	simm.s32 $0x1;
	s21 =	simm.s32 $0x80  }
0xc: {  	s22 =	simm.s32 $0x3;
	s23 =	simm.s32 $0x6200;
	s24 =	simm.s32 $0x5  }
0xd: {  	[smem:$0x7FF] =	sst s7;
	s11 =	sand.u32 $0x1, s11;
	s12 =	sshll.u32 s6, $0x1  }
0xe: {  	s25 =	simm.s32 $0x0;
	_ =	strace $0x80000047;
	s15 =	sor.u32 s11, s12  }
0xf: {  	s11 =	ssub.s32 $0x2, s11;
	s12 =	sshll.u32 s15, $0x4;
	s13 =	sshll.u32 s15, $0x9  }
0x10: {  	s16 =	sshrl.u32 s11, $0x1;
	s31 =	sshll.u32 s15, $0x2;
	p0 =	sne.s32 s15, $0x0  }
0x11: {  	s15 =	simm.s32 $0x4080;
	s14 =	sadd.s32 s12, s8;
	s13 =	sadd.s32 s13, s8  }
0x12: {  	s8 =	sadd.s32 $0x9A00, s8;
	s16 =	ssub.s32 s11, s16;
	s9 =	sadd.s32 s9, s31  }
0x13: {  	s10 =	sadd.s32 s10, s12;
	s11 =	sadd.s32 $0x1800, s13;
	s12 =	sadd.s32 $0x5800, s13  }
0x14: {  	s13 =	sadd.s32 $0x9800, s14;
	s14 =	smax.u32 s16, $0x1;
	s16 =	simm.s32 $0x2  }
.LBB2_1:
0x15: {  	[tilespmem:s15], [sflag:$0x2] =	stream.linear.gather [hbm4b:s9+s7], $0x20, $0x38;
	[tilespmem:$0x6280] =	vst v63  }
0x16: {  	_ = 	snop  }
0x17: {  	[tilespmem:s7], [sflag:$0x1] =	stream.linear.gather [hbm4b:s10+s7], $0x80, $0x38;
	[tilespmem:$0x6280] =	vst v63  }
0x18: {  	_ =	swait.ge [sflag:s16], $0x20  }
0x19: {  	[sflag:s16] =	ssyncset.done $0x0  }
0x1a: {  	[sflag:s16] =	ssyncadd.s32 $0xFFFFFFE0  }
0x1b: {  	[tilespmem:s18], [sflag:$0x2] =	stream.indirect.gather [hbm4b:s1+s17], $0x80, s15, s17, $0xb8;
	[tilespmem:$0x6280] =	vst v63  }
0x1c: {  	_ = 	snop  }
0x1d: {  	[tilespmem:s19], [sflag:$0x3] =	stream.indirect.gather [hbm4b:s3+s17], $0x80, s15, s17, $0xb8;
	[tilespmem:$0x6280] =	vst v63  }
0x1e: {  	_ =	swait.ge [sflag:s20], $0x80  }
0x1f: {  	[sflag:s20] =	ssyncset.done $0x0  }
0x20: {  	[sflag:s20] =	ssyncadd.s32 $0xFFFFFF80  }
0x21: {  	[tilespmem:s21], [sflag:$0x1] =	stream.indirect.gather [hbm4b:s0+s21], $0x80, s7, s21, $0xb8;
	[tilespmem:$0x6280] =	vst v63  }
0x22: {  	s26 =	simm.s32 @!p0 $0x0;
	s28 =	simm.s32 @!p0 $0x6100;
	s29 =	simm.s32 @!p0 $0x5  }
0x23: {  	[tilespmem:s28], [sflag:$0x5] =	stream.linear.gather @!p0 [hbm4b:s5+s26], $0x80, $0x38;
	[tilespmem:$0x6280] =	vst v63  }
0x24: {  	_ =	swait.ge @!p0 [sflag:s29], $0x80  }
0x25: {  	[sflag:s29] =	ssyncset.done @!p0 $0x0  }
0x26: {  	s30 =	simm.s32 @!p0 $0x1;
	s31 =	simm.s32 @!p0 $0x6180;
	[sflag:s29] =	ssyncadd.s32 @!p0 $0xFFFFFF80  }
0x27: {  	[tilespmem:s31], [sflag:$0x4] =	stream.indirect.gather @!p0 [hbm4b:s4+s30], $0x80, s28, s30, $0xb8;
	[tilespmem:$0x6280] =	vst v63  }
0x28: {  	s28 =	simm.s32 @!p0 $0x4  }
0x29: {  	_ =	swait.ge @!p0 [sflag:s28], $0x80  }
0x2a: {  	[sflag:s28] =	ssyncset.done @!p0 $0x0  }
0x2b: {  	[sflag:s28] =	ssyncadd.s32 @!p0 $0xFFFFFF80  }
0x2c: {  	[hbm4b:s8+s26] =	stream.linear.scatter @!p0 [tilespmem:s31], [sflag:$0x5], $0x80, $0x38;
	[tilespmem:$0x6280] =	vst v63  }
0x2d: {  	_ =	swait.ge @!p0 [sflag:s29], $0x80  }
0x2e: {  	[sflag:s29] =	ssyncset.done @!p0 $0x0  }
0x2f: {  	[sflag:s29] =	ssyncadd.s32 @!p0 $0xFFFFFF80  }
0x30: {  	_ =	swait.ge [sflag:s16], $0x1000  }
0x31: {  	[sflag:s16] =	ssyncset.done $0x0  }
0x32: {  	[sflag:s16] =	ssyncadd.s32 $0xFFFFF000  }
0x33: {  	[hbm4b:s11+s7] =	stream.linear.scatter [tilespmem:s18], [sflag:$0x2], $0x1000, $0x38;
	[tilespmem:$0x6280] =	vst v63  }
0x34: {  	_ =	swait.ge [sflag:s22], $0x1000  }
0x35: {  	[sflag:s22] =	ssyncset.done $0x0  }
0x36: {  	[sflag:s22] =	ssyncadd.s32 $0xFFFFF000  }
0x37: {  	[hbm4b:s12+s7] =	stream.linear.scatter [tilespmem:s19], [sflag:$0x3], $0x1000, $0x38;
	[tilespmem:$0x6280] =	vst v63  }
0x38: {  	_ =	swait.ge [sflag:s20], $0x4000  }
0x39: {  	[sflag:s20] =	ssyncset.done $0x0  }
0x3a: {  	s28 =	simm.s32 $0x100;
	[sflag:s20] =	ssyncadd.s32 $0xFFFFC000  }
0x3b: {  	v5 =	vld [tilespmem:s28+$0x0]  }
0x3c: {  	v6 =	vld [tilespmem:s28+$0x10]  }
0x3d: {  	v2 =	vld [tilespmem:s28+$0x20]  }
0x3e: {  	v3 =	vld [tilespmem:s28+$0x30]  }
0x3f: {  	v0 =	vld [tilespmem:s28+$0x40]  }
0x40: {  	v7 =	vld [tilespmem:s28+$0xFFFFFF80]  }
0x41: {  	v8 =	vld [tilespmem:s28+$0xFFFFFF90]  }
0x42: {  	v9 =	vld [tilespmem:s28+$0xFFFFFFA0]  }
0x43: {  	v11 =	vld [tilespmem:s28+$0xFFFFFFB0]  }
0x44: {  	v1 =	vld [tilespmem:s28+$0x50]  }
0x45: {  	v12 =	vld [tilespmem:s28+$0xFFFFFFC0]  }
0x46: {  	v4 =	vimm.f32 $0.0e+00;
	v13 =	vld [tilespmem:s28+$0xFFFFFFD0]  }
0x47: {  	v10 =	vld [tilespmem:s28+$0xFFFFFFE0];
	v7 =	vadd.f32 v7, v4  }
0x48: {  	v14 =	vld [tilespmem:s28+$0xFFFFFFF0];
	v15 =	vadd.f32 v8, v4;
	v17 =	vadd.f32 v9, v4  }
0x49: {  	v16 =	vadd.f32 v11, v4;
	v11 =	vld [tilespmem:s28+$0x60];
	v9 =	vimm.f32 $0.0e+00;
	v8 =	vadd.f32 v5, v7  }
0x4a: {  	s26 =	simm.s32 $0x0;
	v6 =	vadd.f32 v6, v15;
	v15 =	vld [tilespmem:s28+$0x70];
	s28 =	simm.s32 $0x200;
	v7 =	vimm.f32 $0.0e+00;
	v5 =	vimm.f32 $0.0e+00  }
.LBB2_2:
0x4b: {  	v18 =	vld [tilespmem:s28+$0x0];
	v17 =	vadd.f32 v2, v17;
	v16 =	vadd.f32 v3, v16  }
0x4c: {  	v4 =	vadd.f32 v12, v4;
	v9 =	vadd.f32 v13, v9;
	v19 =	vld [tilespmem:s28+$0x10]  }
0x4d: {  	v7 =	vadd.f32 v10, v7;
	v2 =	vld [tilespmem:s28+$0x20];
	v5 =	vadd.f32 v14, v5  }
0x4e: {  	v4 =	vadd.f32 v0, v4;
	v9 =	vadd.f32 v1, v9;
	v3 =	vld [tilespmem:s28+$0x30]  }
0x4f: {  	v7 =	vadd.f32 v11, v7;
	v0 =	vld [tilespmem:s28+$0x40];
	v5 =	vadd.f32 v15, v5  }
0x50: {  	v1 =	vld [tilespmem:s28+$0x50]  }
0x51: {  	v11 =	vld [tilespmem:s28+$0xFFFFFF80]  }
0x52: {  	v14 =	vld [tilespmem:s28+$0xFFFFFF90]  }
0x53: {  	v15 =	vld [tilespmem:s28+$0xFFFFFFA0]  }
0x54: {  	s26 =	sadd.s32 $0x2, s26;
	v20 =	vld [tilespmem:s28+$0xFFFFFFB0]  }
0x55: {  	p1 =	slt.u32 s26, $0x7E;
	v12 =	vld [tilespmem:s28+$0xFFFFFFC0]  }
.Ltmp0:
0x56: {  	v13 =	vld [tilespmem:s28+$0xFFFFFFD0];
	(pc) =	sbr.rel @p1 .LBB2_2-.Ltmp0, $4  }
0x57: {  	v10 =	vld [tilespmem:s28+$0xFFFFFFE0]  }
0x58: {  	v8 =	vadd.f32 v11, v8;
	v6 =	vadd.f32 v14, v6;
	v14 =	vld [tilespmem:s28+$0xFFFFFFF0]  }
0x59: {  	v17 =	vadd.f32 v15, v17;
	v16 =	vadd.f32 v20, v16;
	v11 =	vld [tilespmem:s28+$0x60]  }
0x5a: {  	v8 =	vadd.f32 v18, v8;
	v6 =	vadd.f32 v19, v6;
	v15 =	vld [tilespmem:s28+$0x70];
	s28 =	sadd.s32 $0x100, s28  }
0x5b: {  	_ = 	snop  }
0x5c: {  	v2 =	vadd.f32 v2, v17;
	v4 =	vadd.f32 v12, v4;
	[tilespmem:$0x6200] =	vst v8  }
0x5d: {  	v3 =	vadd.f32 v3, v16;
	v59 =	vadd.f32 v13, v9;
	[tilespmem:$0x6210] =	vst v6  }
0x5e: {  	v60 =	vadd.f32 v10, v7;
	v0 =	vadd.f32 v0, v4;
	[tilespmem:$0x6220] =	vst v2  }
0x5f: {  	v61 =	vadd.f32 v14, v5;
	v1 =	vadd.f32 v1, v59;
	[tilespmem:$0x6230] =	vst v3  }
0x60: {  	v62 =	vadd.f32 v11, v60;
	[tilespmem:$0x6240] =	vst v0  }
0x61: {  	v63 =	vadd.f32 v15, v61;
	[tilespmem:$0x6250] =	vst v1  }
0x62: {  	[tilespmem:$0x6260] =	vst v62  }
0x63: {  	[tilespmem:$0x6270] =	vst v63  }
0x64: {  	[hbm4b:s13+s7] =	stream.linear.scatter [tilespmem:s23], [sflag:$0x5], $0x80, $0x38;
	[tilespmem:$0x6280] =	vst v63  }
0x65: {  	_ =	swait.ge [sflag:s24], $0x80  }
0x66: {  	[sflag:s24] =	ssyncset.done $0x0  }
0x67: {  	s25 =	sadd.s32 $0x1, s25;
	[sflag:s24] =	ssyncadd.s32 $0xFFFFFF80  }
0x68: {  	p1 =	sne.s32 s25, s14;
	_ =	swait.ge [sflag:s16], $0x1000  }
.Ltmp1:
0x69: {  	[sflag:s16] =	ssyncset.done $0x0;
	(pc) =	sbr.rel @p1 .LBB2_1-.Ltmp1, $4  }
0x6a: {  	[sflag:s16] =	ssyncadd.s32 $0xFFFFF000  }
0x6b: {  	_ =	swait.ge [sflag:s22], $0x1000  }
0x6c: {  	[sflag:s22] =	ssyncset.done $0x0  }
0x6d: {  	[sflag:s22] =	ssyncadd.s32 $0xFFFFF000  }
0x6e: {  	_ =	sfence.sel $0x180000  }
0x6f: {  	[bflag:$0x0] =	sbarrier.arrive $0xFFFF  }
0x70: {  	p0 =	sne.s32 s6, $0x0;
	_ =	strace $0x90000047  }
0x71: {  	s0 =	sadd.s32 @!p0 $0x100000, s2;
	[bflag:$0x2] =	sbarrier.arrive $0xFFFF  }
0x72: {  	[sflag:s0] =	ssyncadd.tile.s32 @!p0 $0x1;
	_ =	shalt  }
.Lfunc_end2:
_tile_overlayer_lowered:
.L_overlay_start_2:
0x73: {  	(tag) =	ssettag $0x2  }
0x74: {  	s0 =	rddreg [dreg:$0x0];
	s2 =	stileid.u32  }
0x75: {  	s1 =	rddreg [dreg:$0x1];
	p0 =	sne.s32 s2, $0x0  }
0x76: {  	s3 =	rddreg [dreg:$0x2];
	[bflag:$0x3] =	sbarrier.arrive $0xFFFF;
	s2 =	simm.s32 @!p0 $0x1C05  }
0x77: {  	[timem:s3], [sflag:s2] =	dma.local @!p0 [hbm:s0], s1  }
0x78: {  	s0 =	simm.s32 @!p0 $0x5  }
0x79: {  	_ =	swait.ge @!p0 [sflag:s0], s1  }
0x7a: {  	s1 =	ssub.s32 @!p0 $0x0, s1;
	[sflag:s0] =	ssyncset.done @!p0 $0x0  }
0x7b: {  	[sflag:s0] =	ssyncadd.s32 @!p0 s1  }
0x7c: {  	[bflag:$0x3] =	sbarrier.arrive $0xFFFF  }
0x7d: {  	_ =	shalt  }

</sc_bundles>
